<compile_context>
chip_gen: v7x
topology: tpu7x:2x2x1
jax: 0.10.2.dev20260603
libtpu: 0.0.44.dev20260713+nightly
codegen_flags: <defaults>
</compile_context>

<pallas_src>
import functools

import jax
import jax.numpy as jnp
from jax import lax
from jax.experimental import pallas as pl
from jax.experimental.pallas import tpu as pltpu
from jax.experimental.pallas import tpu_sc as plsc

_NUM_LABELS = 1000
_CLAMP = 4.6051
_B = 16384
_D = 128
_LPAD = 1024
_BLK = 4096
_NSTEPS = _B // _BLK
_NC = 2
_NS = 16
_RPT = _B // (_NC * _NS)
_CHUNK = 128
_NCHUNK = _RPT // _CHUNK


def _sc_seg_body(x_hbm, lab_hbm, zeros_hbm, out_hbm,
                 idx0, idx1, idx2, idx3, rows_v, table, sem0, sem1):
    c = lax.axis_index("c")
    s = lax.axis_index("s")
    wid = s * _NC + c
    base = wid * _RPT
    rows_out = _LPAD // _NS

    rows_cp = pltpu.async_copy(x_hbm.at[pl.ds(base, _RPT)], rows_v, sem0)
    pltpu.sync_copy(zeros_hbm.at[pl.ds(s * rows_out, rows_out)],
                    table.at[pl.ds(s * rows_out, rows_out)])
    idxs = (idx0, idx1, idx2, idx3)
    for k in range(_NCHUNK):
        pltpu.sync_copy(lab_hbm.at[pl.ds(base + k * _CHUNK, _CHUNK)], idxs[k])
    plsc.subcore_barrier()
    rows_cp.wait()
    cps = [pltpu.async_copy(rows_v.at[pl.ds(k * _CHUNK, _CHUNK)],
                            table.at[idxs[k]], sem1, add=True)
           for k in range(_NCHUNK)]
    for cp in cps:
        cp.wait()
    plsc.subcore_barrier()
    pltpu.sync_copy(table.at[pl.ds(s * rows_out, rows_out)],
                    out_hbm.at[c, pl.ds(s * rows_out, rows_out)])


def _sc_segment_sum(x, label, zeros):
    mesh = plsc.VectorSubcoreMesh(core_axis_name="c", subcore_axis_name="s")
    run = functools.partial(
        pl.kernel,
        mesh=mesh,
        out_type=jax.ShapeDtypeStruct((_NC, _LPAD, _D), jnp.float32),
        scratch_types=[
            pltpu.VMEM((_CHUNK,), jnp.int32),
            pltpu.VMEM((_CHUNK,), jnp.int32),
            pltpu.VMEM((_CHUNK,), jnp.int32),
            pltpu.VMEM((_CHUNK,), jnp.int32),
            pltpu.VMEM((_RPT, _D), jnp.float32),
            pltpu.VMEM_SHARED((_LPAD, _D), jnp.float32),
            pltpu.SemaphoreType.DMA,
            pltpu.SemaphoreType.DMA,
        ],
    )(_sc_seg_body)
    return run(x, label, zeros)


def _ce_body(f_ref, lab_ref, psum_ref, tau_ref, out_ref, pn_ref):
    i = pl.program_id(0)

    @pl.when(i == 0)
    def _init():
        s = psum_ref[0] + psum_ref[1]
        nrmsq = jnp.sum(s * s, axis=1, keepdims=True)
        scale = jnp.exp(jnp.clip(tau_ref[...], 0.0, _CLAMP))
        l2e = jnp.float32(1.4426950408889634)
        inv = lax.rsqrt(jnp.maximum(nrmsq, 1e-12))
        pn_ref[...] = (s * (scale * l2e * inv)).astype(jnp.bfloat16)
        out_ref[...] = jnp.zeros_like(out_ref)

    f = f_ref[...]
    nrmsq = jnp.sum(f * f, axis=1, keepdims=True)
    fn = (f * lax.rsqrt(jnp.maximum(nrmsq, 1e-12))).astype(jnp.bfloat16)
    s2 = lax.dot_general(
        fn, pn_ref[...], (((1,), (1,)), ((), ())),
        preferred_element_type=jnp.float32)
    t = jnp.exp2(s2)
    ez = jnp.sum(t, axis=1, keepdims=True) - (_LPAD - _NUM_LABELS)
    colid = lax.broadcasted_iota(jnp.int32, (_BLK, _LPAD), 1)
    lab = lab_ref[...]
    q = jnp.sum(jnp.where(colid == lab, t, 0.0), axis=1, keepdims=True)
    out_ref[...] += jnp.sum(jnp.log2(ez / q))

    @pl.when(i == _NSTEPS - 1)
    def _fin():
        out_ref[...] = out_ref[...] * jnp.float32(0.6931471805599453 / _B)


def _ce_loss(f_emb, label, psum, tau):
    labc = label.reshape(_B, 1)
    tau2 = tau.reshape(1, 1)
    acc = pl.pallas_call(
        _ce_body,
        grid=(_NSTEPS,),
        in_specs=[
            pl.BlockSpec((_BLK, _D), lambda i: (i, 0)),
            pl.BlockSpec((_BLK, 1), lambda i: (i, 0)),
            pl.BlockSpec((_NC, _LPAD, _D), lambda i: (0, 0, 0)),
            pl.BlockSpec((1, 1), lambda i: (0, 0)),
        ],
        out_specs=pl.BlockSpec((1, 1), lambda i: (0, 0)),
        out_shape=jax.ShapeDtypeStruct((1, 1), jnp.float32),
        scratch_shapes=[pltpu.VMEM((_LPAD, _D), jnp.bfloat16)],
        compiler_params=pltpu.CompilerParams(
            dimension_semantics=("arbitrary",)),
    )(f_emb, labc, psum, tau2)
    return acc[0, 0]


def kernel(f_emb, label, tau):
    zeros = jnp.zeros((_LPAD, _D), jnp.float32)
    psum = _sc_segment_sum(f_emb, label, zeros)
    return _ce_loss(f_emb, label, psum, tau)

# --- scband reference (transcript-rebuilt; emitter-appended) ---
"""Pipeline reference for scband-learnable-pclloss-10033043604194 (READ-ONLY COPY).

The authoritative reference and input builder live on the scoring server;
editing this copy changes nothing except your own understanding.
"""

import jax, jax.numpy as jnp
import numpy as np

NUM_LABELS = 1000
CLAMP = 4.6051
INIT_TAU = 0.07


def setup_inputs(seed: int = 0) -> dict:
    key = jax.random.key(seed)
    k1, k2 = jax.random.split(key)
    f_emb = jax.random.normal(k1, (16384, 128), dtype=jnp.float32)
    label = jax.random.randint(k2, (16384,), 0, NUM_LABELS, dtype=jnp.int32)
    tau = jnp.array([np.log(1.0 / INIT_TAU)], dtype=jnp.float32)
    return {"f_emb": f_emb, "label": label, "tau": tau}


def _normalize(x, eps=1e-6):
    # matches torch F.normalize: x / max(||x||, eps)
    n = jnp.linalg.norm(x, axis=1, keepdims=True)
    return x / jnp.maximum(n, eps)


def reference(f_emb, label, tau):
    # clamp tau (torch does an in-place clamp on .data before forward)
    tau_c = jnp.clip(tau, 0.0, CLAMP)
    B, d = f_emb.shape
    # 1) aggregate per-label prototype embeddings (scatter-add / segment sum)
    proto_emb = jax.ops.segment_sum(f_emb, label, num_segments=NUM_LABELS)
    proto_cum = jax.ops.segment_sum(
        jnp.ones((B, 1), dtype=f_emb.dtype), label, num_segments=NUM_LABELS
    )
    proto_emb = proto_emb / (proto_cum + 1e-6)
    proto_emb = jnp.where(proto_cum < 0.5, jnp.zeros_like(proto_emb), proto_emb)
    # 2) logits
    f_n = _normalize(f_emb, 1e-6)
    p_n = _normalize(proto_emb, 1e-6)
    logits = jnp.matmul(f_n, p_n.T) * jnp.exp(tau_c)[0]
    # 3) cross entropy (labels all valid, ignore_index=-1 never triggers)
    logZ = jax.nn.logsumexp(logits, axis=1)
    picked = jnp.take_along_axis(logits, label[:, None], axis=1)[:, 0]
    loss = jnp.mean(logZ - picked)
    return loss


if False:  # reference __main__ guard neutralized (emitter)
    out = reference(**setup_inputs())
    print(out)

if __name__ == "__main__":
    import jax
    _d = setup_inputs()
    print(jax.jit(kernel)(*tuple(_d.values())))

</pallas_src>

<mosaic_0001>
#map = affine_map<(d0, d1) -> (0, 0)>
#map1 = affine_map<(d0, d1) -> (0)>
#map2 = affine_map<(d0, d1) -> (0, 0, 0)>
module attributes {stable_mosaic.version = 14 : i64} {
  func.func @_sc_seg_body(%arg0: i32, %arg1: i32, %arg2: memref<16384x128xf32, #tpu.memory_space<hbm>>, %arg3: memref<16384xi32, #tpu.memory_space<hbm>>, %arg4: memref<1024x128xf32, #tpu.memory_space<hbm>>, %arg5: memref<2x1024x128xf32, #tpu.memory_space<hbm>>, %arg6: memref<128xi32, #tpu.memory_space<vmem>>, %arg7: memref<128xi32, #tpu.memory_space<vmem>>, %arg8: memref<128xi32, #tpu.memory_space<vmem>>, %arg9: memref<128xi32, #tpu.memory_space<vmem>>, %arg10: memref<512x128xf32, #tpu.memory_space<vmem>>, %arg11: memref<1024x128xf32, #tpu.memory_space<vmem_shared>>, %arg12: memref<!tpu.dma_semaphore, #tpu.memory_space<semaphore_mem>>, %arg13: memref<!tpu.dma_semaphore, #tpu.memory_space<semaphore_mem>>) attributes {dimension_semantics = [#tpu.dimension_semantics<core_parallel>, #tpu.dimension_semantics<subcore_parallel>], iteration_bounds = array<i64: 2, 16>, scalar_prefetch = 0 : i64, scratch_operands = 8 : i64, tpu.core_type = #tpu.core_type<sc_vector_subcore>, window_params = [{transform_indices = #map}, {transform_indices = #map1}, {transform_indices = #map}, {transform_indices = #map2}]} {
    %mul3A = arith.constant 2 : i32
    %mul3A_0 = arith.muli %arg1, %mul3A : i32
    %add3A = arith.addi %mul3A_0, %arg0 : i32
    %mul3A_1 = arith.constant 512 : i32
    %mul3A_2 = arith.muli %add3A, %mul3A_1 : i32
    %dma_start3A = arith.constant 0 : i32
    %dma_start3A_3 = tpu.memref_slice %arg2[%mul3A_2, %dma_start3A] : memref<16384x128xf32, #tpu.memory_space<hbm>> -> memref<512x128xf32, #tpu.memory_space<hbm>>
    %dma_start3A_4 = arith.constant 0 : i32
    %dma_start3A_5 = tpu.memref_slice %arg2[%mul3A_2, %dma_start3A_4] : memref<16384x128xf32, #tpu.memory_space<hbm>> -> memref<512x128xf32, #tpu.memory_space<hbm>>
    tpu.enqueue_dma source(%dma_start3A_5 : memref<512x128xf32, #tpu.memory_space<hbm>>) target(%arg10 : memref<512x128xf32, #tpu.memory_space<vmem>>) target_semaphore(%arg12 : memref<!tpu.dma_semaphore, #tpu.memory_space<semaphore_mem>>)
    %mul3A_6 = arith.constant 64 : i32
    %mul3A_7 = arith.muli %arg1, %mul3A_6 : i32
    %mul3A_8 = arith.constant 64 : i32
    %mul3A_9 = arith.muli %arg1, %mul3A_8 : i32
    "tpu.region"() ({
      %run_scoped3A = tpu.sem_alloc : memref<!tpu.dma_semaphore, #tpu.memory_space<semaphore_mem>>
      %dma_start3A_74 = arith.constant 0 : i32
      %dma_start3A_75 = tpu.memref_slice %arg11[%mul3A_9, %dma_start3A_74] : memref<1024x128xf32, #tpu.memory_space<vmem_shared>> -> memref<64x128xf32, #tpu.memory_space<vmem_shared>>
      %dma_start3A_76 = arith.constant 0 : i32
      %dma_start3A_77 = tpu.memref_slice %arg4[%mul3A_7, %dma_start3A_76] : memref<1024x128xf32, #tpu.memory_space<hbm>> -> memref<64x128xf32, #tpu.memory_space<hbm>>
      tpu.enqueue_dma source(%dma_start3A_77 : memref<64x128xf32, #tpu.memory_space<hbm>>) target(%dma_start3A_75 : memref<64x128xf32, #tpu.memory_space<vmem_shared>>) target_semaphore(%run_scoped3A : memref<!tpu.dma_semaphore, #tpu.memory_space<semaphore_mem>>)
      %dma_wait3A_78 = arith.constant 0 : i32
      %dma_wait3A_79 = tpu.memref_slice %arg11[%mul3A_9, %dma_wait3A_78] : memref<1024x128xf32, #tpu.memory_space<vmem_shared>> -> memref<64x128xf32, #tpu.memory_space<vmem_shared>>
      %dma_wait3A_80 = arith.constant 0 : i32
      %dma_wait3A_81 = tpu.memref_slice %arg4[%mul3A_7, %dma_wait3A_80] : memref<1024x128xf32, #tpu.memory_space<hbm>> -> memref<64x128xf32, #tpu.memory_space<hbm>>
      tpu.wait_dma2 semaphore(%run_scoped3A : memref<!tpu.dma_semaphore, #tpu.memory_space<semaphore_mem>>) src(%dma_wait3A_81 : memref<64x128xf32, #tpu.memory_space<hbm>>) dst(%dma_wait3A_79 : memref<64x128xf32, #tpu.memory_space<vmem_shared>>)
      tpu.yield
    }) : () -> ()
    %add3A_10 = arith.constant 0 : i32
    %add3A_11 = arith.addi %mul3A_2, %add3A_10 : i32
    "tpu.region"() ({
      %run_scoped3A = tpu.sem_alloc : memref<!tpu.dma_semaphore, #tpu.memory_space<semaphore_mem>>
      %dma_start3A_74 = tpu.memref_slice %arg3[%add3A_11] : memref<16384xi32, #tpu.memory_space<hbm>> -> memref<128xi32, #tpu.memory_space<hbm>>
      %dma_start3A_75 = tpu.memref_slice %arg3[%add3A_11] : memref<16384xi32, #tpu.memory_space<hbm>> -> memref<128xi32, #tpu.memory_space<hbm>>
      tpu.enqueue_dma source(%dma_start3A_75 : memref<128xi32, #tpu.memory_space<hbm>>) target(%arg6 : memref<128xi32, #tpu.memory_space<vmem>>) target_semaphore(%run_scoped3A : memref<!tpu.dma_semaphore, #tpu.memory_space<semaphore_mem>>)
      %dma_wait3A_76 = tpu.memref_slice %arg3[%add3A_11] : memref<16384xi32, #tpu.memory_space<hbm>> -> memref<128xi32, #tpu.memory_space<hbm>>
      %dma_wait3A_77 = tpu.memref_slice %arg3[%add3A_11] : memref<16384xi32, #tpu.memory_space<hbm>> -> memref<128xi32, #tpu.memory_space<hbm>>
      tpu.wait_dma2 semaphore(%run_scoped3A : memref<!tpu.dma_semaphore, #tpu.memory_space<semaphore_mem>>) src(%dma_wait3A_77 : memref<128xi32, #tpu.memory_space<hbm>>) dst(%arg6 : memref<128xi32, #tpu.memory_space<vmem>>)
      tpu.yield
    }) : () -> ()
    %add3A_12 = arith.constant 128 : i32
    %add3A_13 = arith.addi %mul3A_2, %add3A_12 : i32
    "tpu.region"() ({
      %run_scoped3A = tpu.sem_alloc : memref<!tpu.dma_semaphore, #tpu.memory_space<semaphore_mem>>
      %dma_start3A_74 = tpu.memref_slice %arg3[%add3A_13] : memref<16384xi32, #tpu.memory_space<hbm>> -> memref<128xi32, #tpu.memory_space<hbm>>
      %dma_start3A_75 = tpu.memref_slice %arg3[%add3A_13] : memref<16384xi32, #tpu.memory_space<hbm>> -> memref<128xi32, #tpu.memory_space<hbm>>
      tpu.enqueue_dma source(%dma_start3A_75 : memref<128xi32, #tpu.memory_space<hbm>>) target(%arg7 : memref<128xi32, #tpu.memory_space<vmem>>) target_semaphore(%run_scoped3A : memref<!tpu.dma_semaphore, #tpu.memory_space<semaphore_mem>>)
      %dma_wait3A_76 = tpu.memref_slice %arg3[%add3A_13] : memref<16384xi32, #tpu.memory_space<hbm>> -> memref<128xi32, #tpu.memory_space<hbm>>
      %dma_wait3A_77 = tpu.memref_slice %arg3[%add3A_13] : memref<16384xi32, #tpu.memory_space<hbm>> -> memref<128xi32, #tpu.memory_space<hbm>>
      tpu.wait_dma2 semaphore(%run_scoped3A : memref<!tpu.dma_semaphore, #tpu.memory_space<semaphore_mem>>) src(%dma_wait3A_77 : memref<128xi32, #tpu.memory_space<hbm>>) dst(%arg7 : memref<128xi32, #tpu.memory_space<vmem>>)
      tpu.yield
    }) : () -> ()
    %add3A_14 = arith.constant 256 : i32
    %add3A_15 = arith.addi %mul3A_2, %add3A_14 : i32
    "tpu.region"() ({
      %run_scoped3A = tpu.sem_alloc : memref<!tpu.dma_semaphore, #tpu.memory_space<semaphore_mem>>
      %dma_start3A_74 = tpu.memref_slice %arg3[%add3A_15] : memref<16384xi32, #tpu.memory_space<hbm>> -> memref<128xi32, #tpu.memory_space<hbm>>
      %dma_start3A_75 = tpu.memref_slice %arg3[%add3A_15] : memref<16384xi32, #tpu.memory_space<hbm>> -> memref<128xi32, #tpu.memory_space<hbm>>
      tpu.enqueue_dma source(%dma_start3A_75 : memref<128xi32, #tpu.memory_space<hbm>>) target(%arg8 : memref<128xi32, #tpu.memory_space<vmem>>) target_semaphore(%run_scoped3A : memref<!tpu.dma_semaphore, #tpu.memory_space<semaphore_mem>>)
      %dma_wait3A_76 = tpu.memref_slice %arg3[%add3A_15] : memref<16384xi32, #tpu.memory_space<hbm>> -> memref<128xi32, #tpu.memory_space<hbm>>
      %dma_wait3A_77 = tpu.memref_slice %arg3[%add3A_15] : memref<16384xi32, #tpu.memory_space<hbm>> -> memref<128xi32, #tpu.memory_space<hbm>>
      tpu.wait_dma2 semaphore(%run_scoped3A : memref<!tpu.dma_semaphore, #tpu.memory_space<semaphore_mem>>) src(%dma_wait3A_77 : memref<128xi32, #tpu.memory_space<hbm>>) dst(%arg8 : memref<128xi32, #tpu.memory_space<vmem>>)
      tpu.yield
    }) : () -> ()
    %add3A_16 = arith.constant 384 : i32
    %add3A_17 = arith.addi %mul3A_2, %add3A_16 : i32
    "tpu.region"() ({
      %run_scoped3A = tpu.sem_alloc : memref<!tpu.dma_semaphore, #tpu.memory_space<semaphore_mem>>
      %dma_start3A_74 = tpu.memref_slice %arg3[%add3A_17] : memref<16384xi32, #tpu.memory_space<hbm>> -> memref<128xi32, #tpu.memory_space<hbm>>
      %dma_start3A_75 = tpu.memref_slice %arg3[%add3A_17] : memref<16384xi32, #tpu.memory_space<hbm>> -> memref<128xi32, #tpu.memory_space<hbm>>
      tpu.enqueue_dma source(%dma_start3A_75 : memref<128xi32, #tpu.memory_space<hbm>>) target(%arg9 : memref<128xi32, #tpu.memory_space<vmem>>) target_semaphore(%run_scoped3A : memref<!tpu.dma_semaphore, #tpu.memory_space<semaphore_mem>>)
      %dma_wait3A_76 = tpu.memref_slice %arg3[%add3A_17] : memref<16384xi32, #tpu.memory_space<hbm>> -> memref<128xi32, #tpu.memory_space<hbm>>
      %dma_wait3A_77 = tpu.memref_slice %arg3[%add3A_17] : memref<16384xi32, #tpu.memory_space<hbm>> -> memref<128xi32, #tpu.memory_space<hbm>>
      tpu.wait_dma2 semaphore(%run_scoped3A : memref<!tpu.dma_semaphore, #tpu.memory_space<semaphore_mem>>) src(%dma_wait3A_77 : memref<128xi32, #tpu.memory_space<hbm>>) dst(%arg9 : memref<128xi32, #tpu.memory_space<vmem>>)
      tpu.yield
    }) : () -> ()
    %barrier3A = arith.constant 0 : index
    tpu.barrier barrier_id(%barrier3A)
    %dma_wait3A = arith.constant 0 : i32
    %dma_wait3A_18 = tpu.memref_slice %arg2[%mul3A_2, %dma_wait3A] : memref<16384x128xf32, #tpu.memory_space<hbm>> -> memref<512x128xf32, #tpu.memory_space<hbm>>
    %dma_wait3A_19 = arith.constant 0 : i32
    %dma_wait3A_20 = tpu.memref_slice %arg2[%mul3A_2, %dma_wait3A_19] : memref<16384x128xf32, #tpu.memory_space<hbm>> -> memref<512x128xf32, #tpu.memory_space<hbm>>
    tpu.wait_dma2 semaphore(%arg12 : memref<!tpu.dma_semaphore, #tpu.memory_space<semaphore_mem>>) src(%dma_wait3A_20 : memref<512x128xf32, #tpu.memory_space<hbm>>) dst(%arg10 : memref<512x128xf32, #tpu.memory_space<vmem>>)
    %dma_start3A_21 = arith.constant 0 : i32
    %dma_start3A_22 = arith.constant 0 : i32
    %dma_start3A_23 = tpu.memref_slice %arg10[%dma_start3A_21, %dma_start3A_22] : memref<512x128xf32, #tpu.memory_space<vmem>> -> memref<128x128xf32, #tpu.memory_space<vmem>>
    %dma_start3A_24 = arith.constant 0 : i32
    %dma_start3A_25 = arith.constant 0 : i32
    %dma_start3A_26 = tpu.memref_slice %arg11[%dma_start3A_24, %dma_start3A_25] : memref<1024x128xf32, #tpu.memory_space<vmem_shared>> -> memref<1024x128xf32, #tpu.memory_space<vmem_shared>>
    tpu.enqueue_indirect_dma source(%dma_start3A_23 : memref<128x128xf32, #tpu.memory_space<vmem>>) target(%dma_start3A_26 : memref<1024x128xf32, #tpu.memory_space<vmem_shared>>) offsets(%arg6 : memref<128xi32, #tpu.memory_space<vmem>>) semaphore(%arg13 : memref<!tpu.dma_semaphore, #tpu.memory_space<semaphore_mem>>) {add = true}
    %dma_start3A_27 = arith.constant 128 : i32
    %dma_start3A_28 = arith.constant 0 : i32
    %dma_start3A_29 = tpu.memref_slice %arg10[%dma_start3A_27, %dma_start3A_28] : memref<512x128xf32, #tpu.memory_space<vmem>> -> memref<128x128xf32, #tpu.memory_space<vmem>>
    %dma_start3A_30 = arith.constant 0 : i32
    %dma_start3A_31 = arith.constant 0 : i32
    %dma_start3A_32 = tpu.memref_slice %arg11[%dma_start3A_30, %dma_start3A_31] : memref<1024x128xf32, #tpu.memory_space<vmem_shared>> -> memref<1024x128xf32, #tpu.memory_space<vmem_shared>>
    tpu.enqueue_indirect_dma source(%dma_start3A_29 : memref<128x128xf32, #tpu.memory_space<vmem>>) target(%dma_start3A_32 : memref<1024x128xf32, #tpu.memory_space<vmem_shared>>) offsets(%arg7 : memref<128xi32, #tpu.memory_space<vmem>>) semaphore(%arg13 : memref<!tpu.dma_semaphore, #tpu.memory_space<semaphore_mem>>) {add = true}
    %dma_start3A_33 = arith.constant 256 : i32
    %dma_start3A_34 = arith.constant 0 : i32
    %dma_start3A_35 = tpu.memref_slice %arg10[%dma_start3A_33, %dma_start3A_34] : memref<512x128xf32, #tpu.memory_space<vmem>> -> memref<128x128xf32, #tpu.memory_space<vmem>>
    %dma_start3A_36 = arith.constant 0 : i32
    %dma_start3A_37 = arith.constant 0 : i32
    %dma_start3A_38 = tpu.memref_slice %arg11[%dma_start3A_36, %dma_start3A_37] : memref<1024x128xf32, #tpu.memory_space<vmem_shared>> -> memref<1024x128xf32, #tpu.memory_space<vmem_shared>>
    tpu.enqueue_indirect_dma source(%dma_start3A_35 : memref<128x128xf32, #tpu.memory_space<vmem>>) target(%dma_start3A_38 : memref<1024x128xf32, #tpu.memory_space<vmem_shared>>) offsets(%arg8 : memref<128xi32, #tpu.memory_space<vmem>>) semaphore(%arg13 : memref<!tpu.dma_semaphore, #tpu.memory_space<semaphore_mem>>) {add = true}
    %dma_start3A_39 = arith.constant 384 : i32
    %dma_start3A_40 = arith.constant 0 : i32
    %dma_start3A_41 = tpu.memref_slice %arg10[%dma_start3A_39, %dma_start3A_40] : memref<512x128xf32, #tpu.memory_space<vmem>> -> memref<128x128xf32, #tpu.memory_space<vmem>>
    %dma_start3A_42 = arith.constant 0 : i32
    %dma_start3A_43 = arith.constant 0 : i32
    %dma_start3A_44 = tpu.memref_slice %arg11[%dma_start3A_42, %dma_start3A_43] : memref<1024x128xf32, #tpu.memory_space<vmem_shared>> -> memref<1024x128xf32, #tpu.memory_space<vmem_shared>>
    tpu.enqueue_indirect_dma source(%dma_start3A_41 : memref<128x128xf32, #tpu.memory_space<vmem>>) target(%dma_start3A_44 : memref<1024x128xf32, #tpu.memory_space<vmem_shared>>) offsets(%arg9 : memref<128xi32, #tpu.memory_space<vmem>>) semaphore(%arg13 : memref<!tpu.dma_semaphore, #tpu.memory_space<semaphore_mem>>) {add = true}
    %dma_wait3A_45 = arith.constant 0 : i32
    %dma_wait3A_46 = arith.constant 0 : i32
    %dma_wait3A_47 = tpu.memref_slice %arg10[%dma_wait3A_45, %dma_wait3A_46] : memref<512x128xf32, #tpu.memory_space<vmem>> -> memref<128x128xf32, #tpu.memory_space<vmem>>
    %dma_wait3A_48 = arith.constant 0 : i32
    %dma_wait3A_49 = arith.constant 0 : i32
    %dma_wait3A_50 = tpu.memref_slice %arg11[%dma_wait3A_48, %dma_wait3A_49] : memref<1024x128xf32, #tpu.memory_space<vmem_shared>> -> memref<1024x128xf32, #tpu.memory_space<vmem_shared>>
    tpu.wait_indirect_dma semaphore(%arg13 : memref<!tpu.dma_semaphore, #tpu.memory_space<semaphore_mem>>) src(%dma_wait3A_47 : memref<128x128xf32, #tpu.memory_space<vmem>>) dst(%dma_wait3A_50 : memref<1024x128xf32, #tpu.memory_space<vmem_shared>>)
    %dma_wait3A_51 = arith.constant 128 : i32
    %dma_wait3A_52 = arith.constant 0 : i32
    %dma_wait3A_53 = tpu.memref_slice %arg10[%dma_wait3A_51, %dma_wait3A_52] : memref<512x128xf32, #tpu.memory_space<vmem>> -> memref<128x128xf32, #tpu.memory_space<vmem>>
    %dma_wait3A_54 = arith.constant 0 : i32
    %dma_wait3A_55 = arith.constant 0 : i32
    %dma_wait3A_56 = tpu.memref_slice %arg11[%dma_wait3A_54, %dma_wait3A_55] : memref<1024x128xf32, #tpu.memory_space<vmem_shared>> -> memref<1024x128xf32, #tpu.memory_space<vmem_shared>>
    tpu.wait_indirect_dma semaphore(%arg13 : memref<!tpu.dma_semaphore, #tpu.memory_space<semaphore_mem>>) src(%dma_wait3A_53 : memref<128x128xf32, #tpu.memory_space<vmem>>) dst(%dma_wait3A_56 : memref<1024x128xf32, #tpu.memory_space<vmem_shared>>)
    %dma_wait3A_57 = arith.constant 256 : i32
    %dma_wait3A_58 = arith.constant 0 : i32
    %dma_wait3A_59 = tpu.memref_slice %arg10[%dma_wait3A_57, %dma_wait3A_58] : memref<512x128xf32, #tpu.memory_space<vmem>> -> memref<128x128xf32, #tpu.memory_space<vmem>>
    %dma_wait3A_60 = arith.constant 0 : i32
    %dma_wait3A_61 = arith.constant 0 : i32
    %dma_wait3A_62 = tpu.memref_slice %arg11[%dma_wait3A_60, %dma_wait3A_61] : memref<1024x128xf32, #tpu.memory_space<vmem_shared>> -> memref<1024x128xf32, #tpu.memory_space<vmem_shared>>
    tpu.wait_indirect_dma semaphore(%arg13 : memref<!tpu.dma_semaphore, #tpu.memory_space<semaphore_mem>>) src(%dma_wait3A_59 : memref<128x128xf32, #tpu.memory_space<vmem>>) dst(%dma_wait3A_62 : memref<1024x128xf32, #tpu.memory_space<vmem_shared>>)
    %dma_wait3A_63 = arith.constant 384 : i32
    %dma_wait3A_64 = arith.constant 0 : i32
    %dma_wait3A_65 = tpu.memref_slice %arg10[%dma_wait3A_63, %dma_wait3A_64] : memref<512x128xf32, #tpu.memory_space<vmem>> -> memref<128x128xf32, #tpu.memory_space<vmem>>
    %dma_wait3A_66 = arith.constant 0 : i32
    %dma_wait3A_67 = arith.constant 0 : i32
    %dma_wait3A_68 = tpu.memref_slice %arg11[%dma_wait3A_66, %dma_wait3A_67] : memref<1024x128xf32, #tpu.memory_space<vmem_shared>> -> memref<1024x128xf32, #tpu.memory_space<vmem_shared>>
    tpu.wait_indirect_dma semaphore(%arg13 : memref<!tpu.dma_semaphore, #tpu.memory_space<semaphore_mem>>) src(%dma_wait3A_65 : memref<128x128xf32, #tpu.memory_space<vmem>>) dst(%dma_wait3A_68 : memref<1024x128xf32, #tpu.memory_space<vmem_shared>>)
    %barrier3A_69 = arith.constant 0 : index
    tpu.barrier barrier_id(%barrier3A_69)
    %mul3A_70 = arith.constant 64 : i32
    %mul3A_71 = arith.muli %arg1, %mul3A_70 : i32
    %mul3A_72 = arith.constant 64 : i32
    %mul3A_73 = arith.muli %arg1, %mul3A_72 : i32
    "tpu.region"() ({
      %run_scoped3A = tpu.sem_alloc : memref<!tpu.dma_semaphore, #tpu.memory_space<semaphore_mem>>
      %dma_start3A_74 = arith.constant 0 : i32
      %dma_start3A_75 = tpu.memref_slice %arg5[%arg0, %mul3A_73, %dma_start3A_74] : memref<2x1024x128xf32, #tpu.memory_space<hbm>> -> memref<1x64x128xf32, #tpu.memory_space<hbm>>
      %dma_start3A_76 = tpu.memref_squeeze %dma_start3A_75 : memref<1x64x128xf32, #tpu.memory_space<hbm>> -> memref<64x128xf32, #tpu.memory_space<hbm>>
      %dma_start3A_77 = arith.constant 0 : i32
      %dma_start3A_78 = tpu.memref_slice %arg11[%mul3A_71, %dma_start3A_77] : memref<1024x128xf32, #tpu.memory_space<vmem_shared>> -> memref<64x128xf32, #tpu.memory_space<vmem_shared>>
      tpu.enqueue_dma source(%dma_start3A_78 : memref<64x128xf32, #tpu.memory_space<vmem_shared>>) target(%dma_start3A_76 : memref<64x128xf32, #tpu.memory_space<hbm>>) target_semaphore(%run_scoped3A : memref<!tpu.dma_semaphore, #tpu.memory_space<semaphore_mem>>)
      %dma_wait3A_79 = arith.constant 0 : i32
      %dma_wait3A_80 = tpu.memref_slice %arg5[%arg0, %mul3A_73, %dma_wait3A_79] : memref<2x1024x128xf32, #tpu.memory_space<hbm>> -> memref<1x64x128xf32, #tpu.memory_space<hbm>>
      %dma_wait3A_81 = tpu.memref_squeeze %dma_wait3A_80 : memref<1x64x128xf32, #tpu.memory_space<hbm>> -> memref<64x128xf32, #tpu.memory_space<hbm>>
      %dma_wait3A_82 = arith.constant 0 : i32
      %dma_wait3A_83 = tpu.memref_slice %arg11[%mul3A_71, %dma_wait3A_82] : memref<1024x128xf32, #tpu.memory_space<vmem_shared>> -> memref<64x128xf32, #tpu.memory_space<vmem_shared>>
      tpu.wait_dma2 semaphore(%run_scoped3A : memref<!tpu.dma_semaphore, #tpu.memory_space<semaphore_mem>>) src(%dma_wait3A_83 : memref<64x128xf32, #tpu.memory_space<vmem_shared>>) dst(%dma_wait3A_81 : memref<64x128xf32, #tpu.memory_space<hbm>>)
      tpu.yield
    }) : () -> ()
    return
  }
}

module attributes {stable_mosaic.version = 14 : i64} {
  func.func @_ce_body(%arg0: i32, %arg1: memref<4096x128xf32, #tpu.memory_space<vmem>>, %arg2: memref<4096x1xi32, #tpu.memory_space<vmem>>, %arg3: memref<2x1024x128xf32, #tpu.memory_space<vmem>>, %arg4: memref<1x1xf32, #tpu.memory_space<vmem>>, %arg5: memref<1x1xf32, #tpu.memory_space<vmem>>, %arg6: memref<1024x128xbf16, #tpu.memory_space<vmem>>) attributes {dimension_semantics = [#tpu.dimension_semantics<arbitrary>], iteration_bounds = array<i64: 4>, scalar_prefetch = 0 : i64, scratch_operands = 1 : i64, tpu.core_type = #tpu.core_type<tc>, window_params = [{transform_indices = @transform_0, window_bounds = array<i64: 4096, 128>}, {transform_indices = @transform_1, window_bounds = array<i64: 4096, 1>}, {pipeline_mode = #tpu.pipeline_mode<synchronous>, transform_indices = @transform_2, window_bounds = array<i64: 2, 1024, 128>}, {pipeline_mode = #tpu.pipeline_mode<synchronous>, transform_indices = @transform_3, window_bounds = array<i64: 1, 1>}, {pipeline_mode = #tpu.pipeline_mode<synchronous>, transform_indices = @transform_4, window_bounds = array<i64: 1, 1>}]} {
    %eq3A = arith.constant 0 : i32
    %eq3A_0 = arith.cmpi eq, %arg0, %eq3A : i32
    %convert_element_type3A = arith.extui %eq3A_0 : i1 to i32
    %cond3A = arith.constant 0 : i32
    %cond3A_1 = arith.cmpi ne, %convert_element_type3A, %cond3A : i32
    scf.if %cond3A_1 {
      %get3A_48 = arith.constant 0 : index
      %get3A_49 = arith.constant 0 : index
      %get3A_50 = arith.constant 0 : index
      %get3A_51 = vector.load %arg3[%get3A_48, %get3A_49, %get3A_50] : memref<2x1024x128xf32, #tpu.memory_space<vmem>>, vector<1x1024x128xf32>
      %get3A_52 = vector.shape_cast %get3A_51 : vector<1x1024x128xf32> to vector<1024x128xf32>
      %get3A_53 = arith.constant 1 : index
      %get3A_54 = arith.constant 0 : index
      %get3A_55 = arith.constant 0 : index
      %get3A_56 = vector.load %arg3[%get3A_53, %get3A_54, %get3A_55] : memref<2x1024x128xf32, #tpu.memory_space<vmem>>, vector<1x1024x128xf32>
      %get3A_57 = vector.shape_cast %get3A_56 : vector<1x1024x128xf32> to vector<1024x128xf32>
      %add3A_58 = arith.addf %get3A_52, %get3A_57 : vector<1024x128xf32>
      %mul3A_59 = arith.mulf %add3A_58, %add3A_58 : vector<1024x128xf32>
      %reduce_sum3A_60 = arith.constant dense<0.000000e+00> : vector<1024xf32>
      %reduce_sum3A_61 = vector.multi_reduction <add>, %mul3A_59, %reduce_sum3A_60 [1] : vector<1024x128xf32> to vector<1024xf32>
      %broadcast_in_dim3A_62 = vector.shape_cast %reduce_sum3A_61 : vector<1024xf32> to vector<1024x1xf32>
      %get3A_63 = arith.constant 0 : index
      %get3A_64 = arith.constant 0 : index
      %get3A_65 = vector.load %arg4[%get3A_63, %get3A_64] : memref<1x1xf32, #tpu.memory_space<vmem>>, vector<1x1xf32>
      %jit3A_66 = arith.constant 0.000000e+00 : f32
      %jit3A_67 = arith.constant 4.605100e+00 : f32
      %max3A_68 = vector.broadcast %jit3A_66 : f32 to vector<1x1xf32>
      %max3A_69 = arith.maximumf %max3A_68, %get3A_65 : vector<1x1xf32>
      %min3A = vector.broadcast %jit3A_67 : f32 to vector<1x1xf32>
      %min3A_70 = arith.minimumf %min3A, %max3A_69 : vector<1x1xf32>
      %exp3A = math.exp %min3A_70 : vector<1x1xf32>
      %max3A_71 = arith.constant 9.99999996E-13 : f32
      %max3A_72 = vector.broadcast %max3A_71 : f32 to vector<1024x1xf32>
      %max3A_73 = arith.maximumf %broadcast_in_dim3A_62, %max3A_72 : vector<1024x1xf32>
      %rsqrt3A_74 = math.rsqrt %max3A_73 : vector<1024x1xf32>
      %mul3A_75 = arith.constant 1.44269502 : f32
      %mul3A_76 = vector.broadcast %mul3A_75 : f32 to vector<1x1xf32>
      %mul3A_77 = arith.mulf %exp3A, %mul3A_76 : vector<1x1xf32>
      %mul3A_78 = vector.broadcast %mul3A_77 : vector<1x1xf32> to vector<1024x1xf32>
      %mul3A_79 = arith.mulf %mul3A_78, %rsqrt3A_74 : vector<1024x1xf32>
      %mul3A_80 = vector.broadcast %mul3A_79 : vector<1024x1xf32> to vector<1024x128xf32>
      %mul3A_81 = arith.mulf %add3A_58, %mul3A_80 : vector<1024x128xf32>
      %convert_element_type3A_82 = arith.truncf %mul3A_81 : vector<1024x128xf32> to vector<1024x128xbf16>
      %swap3A_83 = arith.constant 0 : index
      %swap3A_84 = arith.constant 0 : index
      %swap3A_85 = vector.load %arg6[%swap3A_83, %swap3A_84] : memref<1024x128xbf16, #tpu.memory_space<vmem>>, vector<1024x128xbf16>
      tpu.vector_store %arg6[%swap3A_83, %swap3A_84], %convert_element_type3A_82 {strides = array<i32>} : memref<1024x128xbf16, #tpu.memory_space<vmem>>, vector<1024x128xbf16>,
      %broadcast_in_dim3A_86 = arith.constant 0.000000e+00 : f32
      %broadcast_in_dim3A_87 = vector.broadcast %broadcast_in_dim3A_86 : f32 to vector<1x1xf32>
      %swap3A_88 = arith.constant 0 : index
      %swap3A_89 = arith.constant 0 : index
      %swap3A_90 = vector.load %arg5[%swap3A_88, %swap3A_89] : memref<1x1xf32, #tpu.memory_space<vmem>>, vector<1x1xf32>
      tpu.vector_store %arg5[%swap3A_88, %swap3A_89], %broadcast_in_dim3A_87 {strides = array<i32>} : memref<1x1xf32, #tpu.memory_space<vmem>>, vector<1x1xf32>,
    } else {
    }
    %get3A = arith.constant 0 : index
    %get3A_2 = arith.constant 0 : index
    %get3A_3 = vector.load %arg1[%get3A, %get3A_2] : memref<4096x128xf32, #tpu.memory_space<vmem>>, vector<4096x128xf32>
    %mul3A = arith.mulf %get3A_3, %get3A_3 : vector<4096x128xf32>
    %reduce_sum3A = arith.constant dense<0.000000e+00> : vector<4096xf32>
    %reduce_sum3A_4 = vector.multi_reduction <add>, %mul3A, %reduce_sum3A [1] : vector<4096x128xf32> to vector<4096xf32>
    %broadcast_in_dim3A = vector.shape_cast %reduce_sum3A_4 : vector<4096xf32> to vector<4096x1xf32>
    %max3A = arith.constant 9.99999996E-13 : f32
    %max3A_5 = vector.broadcast %max3A : f32 to vector<4096x1xf32>
    %max3A_6 = arith.maximumf %broadcast_in_dim3A, %max3A_5 : vector<4096x1xf32>
    %rsqrt3A = math.rsqrt %max3A_6 : vector<4096x1xf32>
    %mul3A_7 = vector.broadcast %rsqrt3A : vector<4096x1xf32> to vector<4096x128xf32>
    %mul3A_8 = arith.mulf %get3A_3, %mul3A_7 : vector<4096x128xf32>
    %convert_element_type3A_9 = arith.truncf %mul3A_8 : vector<4096x128xf32> to vector<4096x128xbf16>
    %get3A_10 = arith.constant 0 : index
    %get3A_11 = arith.constant 0 : index
    %get3A_12 = vector.load %arg6[%get3A_10, %get3A_11] : memref<1024x128xbf16, #tpu.memory_space<vmem>>, vector<1024x128xbf16>
    %dot_general3A = arith.constant dense<0.000000e+00> : vector<4096x1024xf32>
    %dot_general3A_13 = tpu.matmul %convert_element_type3A_9, %get3A_12, %dot_general3A {dimension_numbers = #tpu.dot_dimension_numbers<[1], [1], [0], [0], [0, 0, 1, 0], [], []>, transpose_lhs_hint = false} : vector<4096x128xbf16>, vector<1024x128xbf16>, vector<4096x1024xf32> -> vector<4096x1024xf32>
    %exp23A = math.exp2 %dot_general3A_13 : vector<4096x1024xf32>
    %reduce_sum3A_14 = arith.constant dense<0.000000e+00> : vector<4096xf32>
    %reduce_sum3A_15 = vector.multi_reduction <add>, %exp23A, %reduce_sum3A_14 [1] : vector<4096x1024xf32> to vector<4096xf32>
    %broadcast_in_dim3A_16 = vector.shape_cast %reduce_sum3A_15 : vector<4096xf32> to vector<4096x1xf32>
    %sub3A = arith.constant 2.400000e+01 : f32
    %sub3A_17 = vector.broadcast %sub3A : f32 to vector<4096x1xf32>
    %sub3A_18 = arith.subf %broadcast_in_dim3A_16, %sub3A_17 : vector<4096x1xf32>
    %iota3A = tpu.iota {dimensions = array<i32: 1>} : vector<4096x1024xi32>
    %get3A_19 = arith.constant 0 : index
    %get3A_20 = arith.constant 0 : index
    %get3A_21 = vector.load %arg2[%get3A_19, %get3A_20] : memref<4096x1xi32, #tpu.memory_space<vmem>>, vector<4096x1xi32>
    %eq3A_22 = vector.broadcast %get3A_21 : vector<4096x1xi32> to vector<4096x1024xi32>
    %eq3A_23 = arith.cmpi eq, %iota3A, %eq3A_22 : vector<4096x1024xi32>
    %jit3A = arith.constant 0.000000e+00 : f32
    %broadcast_in_dim3A_24 = vector.broadcast %jit3A : f32 to vector<4096x1024xf32>
    %select_n3A = arith.select %eq3A_23, %exp23A, %broadcast_in_dim3A_24 : vector<4096x1024xi1>, vector<4096x1024xf32>
    %reduce_sum3A_25 = arith.constant dense<0.000000e+00> : vector<4096xf32>
    %reduce_sum3A_26 = vector.multi_reduction <add>, %select_n3A, %reduce_sum3A_25 [1] : vector<4096x1024xf32> to vector<4096xf32>
    %broadcast_in_dim3A_27 = vector.shape_cast %reduce_sum3A_26 : vector<4096xf32> to vector<4096x1xf32>
    %get3A_28 = arith.constant 0 : index
    %get3A_29 = arith.constant 0 : index
    %get3A_30 = vector.load %arg5[%get3A_28, %get3A_29] : memref<1x1xf32, #tpu.memory_space<vmem>>, vector<1x1xf32>
    %div3A = arith.divf %sub3A_18, %broadcast_in_dim3A_27 : vector<4096x1xf32>
    %log3A = math.log %div3A : vector<4096x1xf32>
    %log3A_31 = arith.constant 2.000000e+00 : f32
    %log3A_32 = math.log %log3A_31 : f32
    %div3A_33 = vector.broadcast %log3A_32 : f32 to vector<4096x1xf32>
    %div3A_34 = arith.divf %log3A, %div3A_33 : vector<4096x1xf32>
    %reduce_sum3A_35 = vector.shape_cast %div3A_34 : vector<4096x1xf32> to vector<1x4096x1xf32>
    %reduce_sum3A_36 = arith.constant dense<0.000000e+00> : vector<1xf32>
    %reduce_sum3A_37 = vector.multi_reduction <add>, %reduce_sum3A_35, %reduce_sum3A_36 [1, 2] : vector<1x4096x1xf32> to vector<1xf32>
    %reduce_sum3A_38 = vector.shape_cast %reduce_sum3A_37 : vector<1xf32> to vector<1x1x1xf32>
    %reduce_sum3A_39 = vector.extract %reduce_sum3A_38[0, 0, 0] : f32 from vector<1x1x1xf32>
    %add3A = vector.broadcast %reduce_sum3A_39 : f32 to vector<1x1xf32>
    %add3A_40 = arith.addf %get3A_30, %add3A : vector<1x1xf32>
    %swap3A = arith.constant 0 : index
    %swap3A_41 = arith.constant 0 : index
    %swap3A_42 = vector.load %arg5[%swap3A, %swap3A_41] : memref<1x1xf32, #tpu.memory_space<vmem>>, vector<1x1xf32>
    tpu.vector_store %arg5[%swap3A, %swap3A_41], %add3A_40 {strides = array<i32>} : memref<1x1xf32, #tpu.memory_space<vmem>>, vector<1x1xf32>,
    %eq3A_43 = arith.constant 3 : i32
    %eq3A_44 = arith.cmpi eq, %arg0, %eq3A_43 : i32
    %convert_element_type3A_45 = arith.extui %eq3A_44 : i1 to i32
    %cond3A_46 = arith.constant 0 : i32
    %cond3A_47 = arith.cmpi ne, %convert_element_type3A_45, %cond3A_46 : i32
    scf.if %cond3A_47 {
      %get3A_48 = arith.constant 0 : index
      %get3A_49 = arith.constant 0 : index
      %get3A_50 = vector.load %arg5[%get3A_48, %get3A_49] : memref<1x1xf32, #tpu.memory_space<vmem>>, vector<1x1xf32>
      %mul3A_51 = arith.constant 4.23063466E-5 : f32
      %mul3A_52 = vector.broadcast %mul3A_51 : f32 to vector<1x1xf32>
      %mul3A_53 = arith.mulf %get3A_50, %mul3A_52 : vector<1x1xf32>
      %swap3A_54 = arith.constant 0 : index
      %swap3A_55 = arith.constant 0 : index
      %swap3A_56 = vector.load %arg5[%swap3A_54, %swap3A_55] : memref<1x1xf32, #tpu.memory_space<vmem>>, vector<1x1xf32>
      tpu.vector_store %arg5[%swap3A_54, %swap3A_55], %mul3A_53 {strides = array<i32>} : memref<1x1xf32, #tpu.memory_space<vmem>>, vector<1x1xf32>,
    } else {
    }
    return
  }
  func.func @transform_0(%arg0: i32) -> (i32, i32) {
    %c0_i32 = arith.constant 0 : i32
    %c0_i32_0 = arith.constant 0 : i32
    return %arg0, %c0_i32 : i32, i32
  }
  func.func @transform_1(%arg0: i32) -> (i32, i32) {
    %c0_i32 = arith.constant 0 : i32
    %c0_i32_0 = arith.constant 0 : i32
    return %arg0, %c0_i32 : i32, i32
  }
  func.func @transform_2(%arg0: i32) -> (i32, i32, i32) {
    %c0_i32 = arith.constant 0 : i32
    %c0_i32_0 = arith.constant 0 : i32
    %c0_i32_1 = arith.constant 0 : i32
    %c0_i32_2 = arith.constant 0 : i32
    return %c0_i32, %c0_i32_0, %c0_i32_1 : i32, i32, i32
  }
  func.func @transform_3(%arg0: i32) -> (i32, i32) {
    %c0_i32 = arith.constant 0 : i32
    %c0_i32_0 = arith.constant 0 : i32
    %c0_i32_1 = arith.constant 0 : i32
    return %c0_i32, %c0_i32_0 : i32, i32
  }
  func.func @transform_4(%arg0: i32) -> (i32, i32) {
    %c0_i32 = arith.constant 0 : i32
    %c0_i32_0 = arith.constant 0 : i32
    %c0_i32_1 = arith.constant 0 : i32
    return %c0_i32, %c0_i32_0 : i32, i32
  }
}

</mosaic_0001>

<sc_bundles>
// kernel: kernel.4.cloned.1.call-start
scs
__scs_entry_jumppad:
0x0: {  	(pc) =	sbr.rel $0x88, $3  }
0x1: {  	(tag) =	ssettag $0x0;
	lr =	simm.s32 $0x1  }
0x2: {  	[smem:$0x3F9E] =	sst lr;
	_ =	strace $0xD0000000  }
0x3: {  	_ = 	snop  }
0x4: {  	_ = 	snop  }
0x5: {  	_ = 	snop  }
0x6: {  	_ = 	snop  }
0x7: {  	_ = 	snop  }
__scs_overlays_trampoline_lowered:
0x8: {  	[smem:$0x3FAD] =	sst s0  }
0x9: {  	[smem:$0x3FAE] =	sst s1  }
0xa: {  	[smem:$0x3FAF] =	sst s2  }
0xb: {  	[smem:$0x3FB0] =	sst s3  }
0xc: {  	[smem:$0x3FB1] =	sst s4  }
0xd: {  	[smem:$0x3FB2] =	sst s5  }
0xe: {  	[smem:$0x3FB3] =	sst s6  }
0xf: {  	[smem:$0x3FB4] =	sst s7  }
0x10: {  	[smem:$0x3FB5] =	sst s8  }
0x11: {  	[smem:$0x3FB6] =	sst s9;
	s0 =	simm.s32 @!p0 $0x0  }
0x12: {  	s1 =	sld [smem:$0x3F9C];
	s0 =	simm.s32 @p0 $0x1  }
0x13: {  	[smem:$0x3FB7] =	sst s0;
	s0 =	simm.s32 @!p1 $0x0  }
0x14: {  	s2 =	sld [smem:$0x3F9B];
	s0 =	simm.s32 @p1 $0x1  }
0x15: {  	[smem:$0x3FB8] =	sst s0;
	s0 =	simm.s32 @!p2 $0x0  }
0x16: {  	s3 =	sld [smem:$0x3FDB];
	s0 =	simm.s32 @p2 $0x1  }
0x17: {  	s4 =	simm.s32 $0x1BF5;
	[smem:$0x3FBA] =	sst s0  }
0x18: {  	s0 =	sld [smem:$0x3F9D];
	_ =	swait.ge [sflag:s4], $0x0  }
0x19: {  	s7 =	sld [smem:$0x3F9E]  }
0x1a: {  	s8 =	sadd.s32 $0xFFFFE003, lr  }
0x1b: {  	s9 =	sadd.s32 $0xFFFFFEF7, lr;
	s5 =	simm.s32 $0xFFFFFFFF;
	p2 =	slt.u32 s8, $0xFFFFF086  }
0x1c: {  	p1 =	slt.u32 s9, $0xF7A;
	s5 =	simm.s32 @!p2 $0x0  }
0x1d: {  	s5 =	simm.s32 @p1 $0x1;
	p0 =	seq.s32 s7, s2  }
0x1e: {  	s7 =	smul.u32 @!p0 $0xF7A, s2;
	p2 =	seq.s32 @!p0 s5, $0x0  }
0x1f: {  	s9 =	smul.u32 $0xF7A, s1;
	s8 =	simm.s32 @!p0 $0x1BF5;
	p2 =	por !p2, p0  }
0x20: {  	[sflag:s8] =	ssyncset.s32 @!p0 $0xFFFFF086;
	s6 =	sadd.s32 @!p0 s3, s7;
	s7 =	simm.s32 @!p0 $0x108  }
0x21: {  	s3 =	sadd.s32 s3, s9;
	s6 =	sadd.s32 @!p0 $0x88, s6;
	s7 =	simm.s32 @p2 $0x1082  }
0x22: {  	[simem:s7], [sflag:s8] =	dma.local @!p0 [hbm:s6], $0xF7A  }
0x23: {  	s9 =	sor.u32 $0xD0000000, s2;
	s6 =	simm.s32 $0x108;
	_ =	swait.ge @!p0 [sflag:s8], $0x0  }
0x24: {  	s3 =	sadd.s32 $0x88, s3;
	s6 =	simm.s32 @!p1 $0x1082;
	[sflag:s4] =	ssyncset.s32 $0xFFFFF086  }
0x25: {  	[simem:s6], [sflag:s4] =	dma.local [hbm:s3], $0xF7A  }
0x26: {  	[smem:$0x3F9E] =	sst s1;
	(tag) =	ssettag s2;
	_ =	strace s9  }
0x27: {  	s1 =	sld [smem:$0x3FAE]  }
0x28: {  	s2 =	sld [smem:$0x3FAF]  }
0x29: {  	s4 =	sld [smem:$0x3FB1]  }
0x2a: {  	p0 =	seq.s32 s5, $0x0;
	s5 =	sld [smem:$0x3FB2]  }
0x2b: {  	s6 =	sld [smem:$0x3FB3]  }
0x2c: {  	s7 =	sld [smem:$0x3FB4]  }
0x2d: {  	s3 =	simm.s32 $0x108;
	s8 =	sld [smem:$0x3FB5]  }
0x2e: {  	s3 =	simm.s32 @!p0 $0x1082;
	s9 =	sld [smem:$0x3FB6]  }
0x2f: {  	lr =	sadd.s32 s0, s3;
	s0 =	sld [smem:$0x3FAD]  }
0x30: {  	s3 =	sld [smem:$0x3FB0]  }
0x31: {  	[smem:$0x3FB9] =	sst s10  }
0x32: {  	s10 =	sld [smem:$0x3FB7];
	_ =	sdelay $0x3  }
0x33: {  	p0 =	seq.s32 s10, $0x1;
	s10 =	sld [smem:$0x3FB9];
	_ =	sdelay $0x3  }
0x34: {  	[smem:$0x3FB9] =	sst s10  }
0x35: {  	s10 =	sld [smem:$0x3FB8];
	_ =	sdelay $0x3  }
0x36: {  	p1 =	seq.s32 s10, $0x1;
	s10 =	sld [smem:$0x3FB9];
	_ =	sdelay $0x3  }
0x37: {  	[smem:$0x3FB9] =	sst s10  }
0x38: {  	s10 =	sld [smem:$0x3FBA]  }
0x39: {  	_ = 	snop;
	(pc) =	sbr.ind lr, $3  }
0x3a: {  	_ = 	snop  }
0x3b: {  	_ = 	snop  }
0x3c: {  	p2 =	seq.s32 s10, $0x1;
	s10 =	sld [smem:$0x3FB9]  }
0x3d: {  	_ =	shalt  }
0x3e: {  	_ =	shalt  }
0x3f: {  	_ =	shalt  }
0x40: {  	_ =	shalt  }
0x41: {  	_ =	shalt  }
0x42: {  	_ =	shalt  }
0x43: {  	_ =	shalt  }
0x44: {  	_ =	shalt  }
0x45: {  	_ =	shalt  }
0x46: {  	_ =	shalt  }
0x47: {  	_ =	shalt  }
0x48: {  	_ =	shalt  }
0x49: {  	_ =	shalt  }
0x4a: {  	_ =	shalt  }
0x4b: {  	_ =	shalt  }
0x4c: {  	_ =	shalt  }
0x4d: {  	_ =	shalt  }
0x4e: {  	_ =	shalt  }
0x4f: {  	_ =	shalt  }
0x50: {  	_ =	shalt  }
0x51: {  	_ =	shalt  }
0x52: {  	_ =	shalt  }
0x53: {  	_ =	shalt  }
0x54: {  	_ =	shalt  }
0x55: {  	_ =	shalt  }
0x56: {  	_ =	shalt  }
0x57: {  	_ =	shalt  }
0x58: {  	_ =	shalt  }
0x59: {  	_ =	shalt  }
0x5a: {  	_ =	shalt  }
0x5b: {  	_ =	shalt  }
0x5c: {  	_ =	shalt  }
0x5d: {  	_ =	shalt  }
0x5e: {  	_ =	shalt  }
0x5f: {  	_ =	shalt  }
0x60: {  	_ =	shalt  }
0x61: {  	_ =	shalt  }
0x62: {  	_ =	shalt  }
0x63: {  	_ =	shalt  }
0x64: {  	_ =	shalt  }
0x65: {  	_ =	shalt  }
0x66: {  	_ =	shalt  }
0x67: {  	_ =	shalt  }
0x68: {  	_ =	shalt  }
0x69: {  	_ =	shalt  }
0x6a: {  	_ =	shalt  }
0x6b: {  	_ =	shalt  }
0x6c: {  	_ =	shalt  }
0x6d: {  	_ =	shalt  }
0x6e: {  	_ =	shalt  }
0x6f: {  	_ =	shalt  }
0x70: {  	_ =	shalt  }
0x71: {  	_ =	shalt  }
0x72: {  	_ =	shalt  }
0x73: {  	_ =	shalt  }
0x74: {  	_ =	shalt  }
0x75: {  	_ =	shalt  }
0x76: {  	_ =	shalt  }
0x77: {  	_ =	shalt  }
0x78: {  	_ =	shalt  }
0x79: {  	_ =	shalt  }
0x7a: {  	_ =	shalt  }
0x7b: {  	_ =	shalt  }
0x7c: {  	_ =	shalt  }
0x7d: {  	_ =	shalt  }
0x7e: {  	_ =	shalt  }
0x7f: {  	_ =	shalt  }
0x80: {  	_ =	shalt  }
0x81: {  	_ =	shalt  }
0x82: {  	_ =	shalt  }
0x83: {  	_ =	shalt  }
0x84: {  	_ =	shalt  }
0x85: {  	_ =	shalt  }
0x86: {  	_ =	shalt  }
0x87: {  	_ =	shalt  }
.Lfunc_end0:
.L_simem_size_0:
called_computation_lowered:
.L_overlay_start_0:
0x88: {  	s2 =	sld [smem:$0x3FD9]  }
0x89: {  	s3 =	sld [smem:$0x3FFE];
	_ =	sdelay $0x1  }
0x8a: {  	s1 =	srdreg.scid  }
0x8b: {  	s0 =	sand.u32 $0x1, s1  }
0x8c: {  	s17 =	sshll.u32 s0, $0xA;
	s2 =	sadd.s32 s3, s2  }
0x8d: {  	s2 =	sadd.s32 s2, s17  }
0x8e: {  	[smem:$0x3FC5] =	sst s2  }
0x8f: {  	_ = 	snop  }
0x90: {  	s2 =	sld [smem:$0x3FC9]  }
0x91: {  	s18 =	sld [smem:$0x3FC8];
	(tm) =	ssettm $0x1  }
0x92: {  	s4 =	sld [smem:$0x3FFB];
	_ =	sdelay $0x3  }
0x93: {  	_ =	strace s4  }
0x94: {  	s4 =	sld [smem:$0x3FFC];
	_ =	sdelay $0x3  }
0x95: {  	_ =	strace s4  }
0x96: {  	s4 =	sld [smem:$0x3FFD];
	_ =	sdelay $0x3  }
0x97: {  	_ =	strace s4  }
0x98: {  	_ =	strace $0x8FFFFFFF  }
0x99: {  	s19 =	sld [smem:$0x3FDB];
	_ =	sdelay $0x1  }
0x9a: {  	s5 =	simm.s32 $_scs_section_size  }
0x9b: {  	s6 =	simm.s32 $_size__tile_overlayer_lowered;
	s7 =	simm.s32 $_tile_overlayer_lowered  }
0x9c: {  	s22 =	simm.s32 $0x1BFF;
	s21 =	sshll.u32 s7, $0x1;
	s4 =	sadd.s32 s5, s19  }
0x9d: {  	s8 =	simm.s32 $0x0;
	s20 =	sshll.u32 s6, $0x1;
	s6 =	sadd.s32 s21, s4  }
0x9e: {  	[timem:s8], [sflag:s22] =	dma.local [hbm:s6], s20  }
0x9f: {  	_ =	swait.ge [sflag:s22], s20  }
0xa0: {  	s5 =	ssub.s32 $0x0, s20;
	[sflag:s22] =	ssyncset.done $0x0  }
0xa1: {  	[sflag:s22] =	ssyncadd.s32 s5;
	_ =	sdelay $0x1  }
0xa2: {  	s23 =	simm.s32 $0x1B8B  }
0xa3: {  	_ =	swait.ge [sflag:s23], $0x1  }
0xa4: {  	[sflag:s23] =	ssyncset.done $0x0  }
0xa5: {  	s25 =	simm.s32 $0x1B8E;
	s24 =	sld [smem:$0x3FFE];
	[sflag:s23] =	ssyncadd.s32 $0xFFFFFFFF  }
0xa6: {  	s26 =	simm.s32 $execute0_lowered;
	[smem:$0x3FD2] =	sst s25  }
0xa7: {  	s6 =	sshll.u32 s26, $0x1;
	_ =	strace $0x80000046;
	[dreg:$0x1] =	wrdreg $0xFFFFFFFF  }
0xa8: {  	s28 =	simm.s32 $_size_execute0_lowered;
	s4 =	sadd.s32 s4, s6;
	[dreg:$0x0] =	wrdreg $0x0  }
0xa9: {  	s6 =	sshll.u32 s28, $0x1;
	[dreg:$0x2] =	wrdreg s4  }
0xaa: {  	[dreg:$0x3] =	wrdreg s6  }
0xab: {  	[dreg:$0x4] =	wrdreg $0xC0  }
0xac: {  	_ =	task [dreg:s8], $0x5FFFF  }
0xad: {  	[dreg:$0x1] =	wrdreg $0xFFFFFFFF  }
0xae: {  	[dreg:$0x0] =	wrdreg $0x60  }
0xaf: {  	[dreg:$0x2] =	wrdreg s2  }
0xb0: {  	[dreg:$0x3] =	wrdreg s18  }
0xb1: {  	[dreg:$0x4] =	wrdreg s24  }
0xb2: {  	[dreg:$0x5] =	wrdreg $0x102000  }
0xb3: {  	[dreg:$0x6] =	wrdreg $0x9  }
0xb4: {  	_ =	task.clear_ibuf [dreg:s8], $0x7FFFF;
	_ =	strace $0x90000046  }
0xb5: {  	s29 =	simm.s32 $0x9;
	_ =	strace $0x80000048  }
0xb6: {  	_ =	swait.ge [sflag:s29], $0x1  }
0xb7: {  	[sflag:s29] =	ssyncadd.s32 $0xFFFFFFFF  }
0xb8: {  	_ =	strace $0x90000048  }
0xb9: {  	_ =	sfence  }
0xba: {  	s30 =	sld [smem:$0x0];
	_ =	sdelay $0x2  }
0xbb: {  	s31 =	sshll.u32 s1, $0xD;
	s1 =	sshrl.u32 s1, $0x2  }
0xbc: {  	s3 =	sand.u32 $0x4000, s31;
	s1 =	sadd.s32 s1, s30  }
0xbd: {  	s0 =	sor.u32 s3, s0;
	s1 =	sshll.u32 s1, $0x11  }
0xbe: {  	s0 =	sor.u32 s1, s0  }
0xbf: {  	s0 =	sadd.s32 $0x8F2B, s0  }
0xc0: {  	[sflag:s0] =	ssyncadd.remote.s32 $0x1  }
0xc1: {  	_ =	sfence.sel $0xFFFF  }
0xc2: {  	[dreg:$0x0] =	wrdreg $0xFFFFFFFF;
	(pc) =	sbr.abs _section_cstart, $3  }
0xc3: {  	[dreg:$0x1] =	wrdreg $0xFFFFFFFF  }
0xc4: {  	_ =	task.clear_ibuf [dreg:s8], $0x2FFFF;
	_ =	strace $0x9FFFFFFF  }
0xc5: {  	(tm) =	ssettm $0x7FFFFFFF  }
tec
execute0_lowered:
.L_overlay_start_1:
0x0: {  	(tag) =	ssettag $0x1  }
0x1: {  	s4 =	rddreg [dreg:$0x0]  }
0x2: {  	s10 =	rddreg [dreg:$0x1]  }
0x3: {  	s5 =	rddreg [dreg:$0x2]  }
0x4: {  	s2 =	rddreg [dreg:$0x3];
	s3 =	srdreg.scid  }
0x5: {  	s0 =	rddreg [dreg:$0x4];
	s1 =	stileid.u32  }
0x6: {  	s22 =	sand.u32 $0x1, s3;
	s3 =	simm.s32 $0x0;
	s6 =	sshll.u32 s1, $0xA  }
0x7: {  	s29 =	sshll.u32 s1, $0xD;
	s30 =	sshll.u32 s1, $0x6;
	s7 =	sshll.u32 s22, $0x9  }
0x8: {  	[smem:$0x7FF] =	sst s3;
	s23 =	sadd.s32 s6, s5;
	s8 =	sadd.s32 s29, s2  }
0x9: {  	s11 =	sor.u32 s7, s6;
	_ =	strace $0x80000047;
	s5 =	sadd.s32 $0x1000, s23  }
0xa: {  	s6 =	sor.u32 $0x1C03, s30;
	s7 =	simm.s32 $0x200;
	s28 =	sshll.u32 s11, $0x4  }
0xb: {  	s9 =	sshrl.u32 s8, $0x3;
	s8 =	simm.s32 $0x3;
	s4 =	sadd.s32 s4, s28  }
0xc: {  	[tilespmem:s7], [sflag:$0x1] =	stream.linear.gather [hbm4b:s4+s3], $0x10000, $0x38;
	[tilespmem:$0x12200] =	vst v63  }
0xd: {  	[spmem:s9], [sflag:s6] =	dma.local [hbm:s5], $0x400  }
0xe: {  	_ =	swait.ge [sflag:s8], $0x400  }
0xf: {  	s11 =	sshrl.u32 s11, $0x3;
	[sflag:s8] =	ssyncset.done $0x0  }
0x10: {  	s10 =	sadd.s32 s10, s11;
	[sflag:s8] =	ssyncadd.s32 $0xFFFFFC00  }
0x11: {  	[tilespmem:s3], [sflag:$0x3] =	stream.linear.gather [hbm4b:s10+s3], $0x80, $0x38;
	[tilespmem:$0x12200] =	vst v63  }
0x12: {  	_ =	swait.ge [sflag:s8], $0x80  }
0x13: {  	[sflag:s8] =	ssyncset.done $0x0  }
0x14: {  	s12 =	simm.s32 $0x80;
	s11 =	sadd.s32 $0x10, s10;
	[sflag:s8] =	ssyncadd.s32 $0xFFFFFF80  }
0x15: {  	[tilespmem:s12], [sflag:$0x3] =	stream.linear.gather [hbm4b:s11+s3], $0x80, $0x38;
	[tilespmem:$0x12200] =	vst v63  }
0x16: {  	_ =	swait.ge [sflag:s8], $0x80  }
0x17: {  	[sflag:s8] =	ssyncset.done $0x0  }
0x18: {  	s14 =	simm.s32 $0x100;
	s13 =	sadd.s32 $0x20, s10;
	[sflag:s8] =	ssyncadd.s32 $0xFFFFFF80  }
0x19: {  	[tilespmem:s14], [sflag:$0x3] =	stream.linear.gather [hbm4b:s13+s3], $0x80, $0x38;
	[tilespmem:$0x12200] =	vst v63  }
0x1a: {  	_ =	swait.ge [sflag:s8], $0x80  }
0x1b: {  	[sflag:s8] =	ssyncset.done $0x0  }
0x1c: {  	s16 =	simm.s32 $0x180;
	s15 =	sadd.s32 $0x30, s10;
	[sflag:s8] =	ssyncadd.s32 $0xFFFFFF80  }
0x1d: {  	[tilespmem:s16], [sflag:$0x3] =	stream.linear.gather [hbm4b:s15+s3], $0x80, $0x38;
	[tilespmem:$0x12200] =	vst v63  }
0x1e: {  	_ =	swait.ge [sflag:s8], $0x80  }
0x1f: {  	[sflag:s8] =	ssyncset.done $0x0  }
0x20: {  	[sflag:s8] =	ssyncadd.s32 $0xFFFFFF80  }
0x21: {  	s17 =	simm.s32 $0x1;
	[bflag:$0x0] =	sbarrier.arrive $0xFFFF  }
0x22: {  	_ =	swait.ge [sflag:s17], $0x10000  }
0x23: {  	[sflag:s17] =	ssyncset.done $0x0  }
0x24: {  	[sflag:s17] =	ssyncadd.s32 $0xFFFF0000  }
0x25: {  	[spmem:s2] =	stream.indirect.scatter.add.f32 [tilespmem:s7], [sflag:$0x2], $0x80, s3, s12, $0xb8;
	[tilespmem:$0x12200] =	vst v63  }
0x26: {  	s18 =	simm.s32 $0x4200  }
0x27: {  	[spmem:s2] =	stream.indirect.scatter.add.f32 [tilespmem:s18], [sflag:$0x2], $0x80, s12, s12, $0xb8;
	[tilespmem:$0x12200] =	vst v63  }
0x28: {  	s19 =	simm.s32 $0x8200  }
0x29: {  	[spmem:s2] =	stream.indirect.scatter.add.f32 [tilespmem:s19], [sflag:$0x2], $0x80, s14, s12, $0xb8;
	[tilespmem:$0x12200] =	vst v63  }
0x2a: {  	s20 =	simm.s32 $0xC200;
	s21 =	simm.s32 $0x2  }
0x2b: {  	[spmem:s2] =	stream.indirect.scatter.add.f32 [tilespmem:s20], [sflag:$0x2], $0x80, s16, s12, $0xb8;
	[tilespmem:$0x12200] =	vst v63  }
0x2c: {  	_ =	swait.ge [sflag:s21], $0x4000  }
0x2d: {  	[sflag:s21] =	ssyncset.done $0x0  }
0x2e: {  	[sflag:s21] =	ssyncadd.s32 $0xFFFFC000  }
0x2f: {  	_ =	swait.ge [sflag:s21], $0x4000  }
0x30: {  	[sflag:s21] =	ssyncset.done $0x0  }
0x31: {  	[sflag:s21] =	ssyncadd.s32 $0xFFFFC000  }
0x32: {  	s24 =	ssub.s32 $0x2, s22;
	_ =	swait.ge [sflag:s21], $0x4000  }
0x33: {  	s25 =	sshrl.u32 s24, $0x1;
	[sflag:s21] =	ssyncset.done $0x0  }
0x34: {  	s24 =	ssub.s32 s24, s25;
	[sflag:s21] =	ssyncadd.s32 $0xFFFFC000  }
0x35: {  	s31 =	smax.u32 s24, $0x1;
	_ =	swait.ge [sflag:s21], $0x4000  }
0x36: {  	s22 =	sshll.u32 s22, $0xE;
	p0 =	sne.s32 s31, $0x1;
	[sflag:s21] =	ssyncset.done $0x0  }
.Ltmp0:
0x37: {  	s22 =	sadd.s32 s22, s23;
	[sflag:s21] =	ssyncadd.s32 $0xFFFFC000;
	(pc) =	sbr.rel @!p0 .LBB2_2-.Ltmp0, $4  }
0x38: {  	s22 =	sadd.s32 $0x5000, s22;
	[bflag:$0x0] =	sbarrier.arrive $0xFFFF  }
0x39: {  	[hbm:s22], [sflag:s6] =	dma.local [spmem:s9], $0x400  }
0x3a: {  	_ =	swait.ge [sflag:s8], $0x400  }
0x3b: {  	s23 =	sadd.s32 $0xFFFFFFFF, s31;
	[sflag:s8] =	ssyncset.done $0x0  }
.LBB2_1:
0x3c: {  	p0 =	sne.s32 s23, $0x1;
	s23 =	sadd.s32 $0xFFFFFFFF, s23;
	[sflag:s8] =	ssyncadd.s32 $0xFFFFFC00  }
0x3d: {  	[tilespmem:s7], [sflag:$0x1] =	stream.linear.gather [hbm4b:s4+s3], $0x10000, $0x38;
	[tilespmem:$0x12200] =	vst v63  }
0x3e: {  	[spmem:s9], [sflag:s6] =	dma.local [hbm:s5], $0x400  }
0x3f: {  	_ =	swait.ge [sflag:s8], $0x400  }
0x40: {  	[sflag:s8] =	ssyncset.done $0x0  }
0x41: {  	[sflag:s8] =	ssyncadd.s32 $0xFFFFFC00  }
0x42: {  	[tilespmem:s3], [sflag:$0x3] =	stream.linear.gather [hbm4b:s10+s3], $0x80, $0x38;
	[tilespmem:$0x12200] =	vst v63  }
0x43: {  	_ =	swait.ge [sflag:s8], $0x80  }
0x44: {  	[sflag:s8] =	ssyncset.done $0x0  }
0x45: {  	[sflag:s8] =	ssyncadd.s32 $0xFFFFFF80  }
0x46: {  	[tilespmem:s12], [sflag:$0x3] =	stream.linear.gather [hbm4b:s11+s3], $0x80, $0x38;
	[tilespmem:$0x12200] =	vst v63  }
0x47: {  	_ =	swait.ge [sflag:s8], $0x80  }
0x48: {  	[sflag:s8] =	ssyncset.done $0x0  }
0x49: {  	[sflag:s8] =	ssyncadd.s32 $0xFFFFFF80  }
0x4a: {  	[tilespmem:s14], [sflag:$0x3] =	stream.linear.gather [hbm4b:s13+s3], $0x80, $0x38;
	[tilespmem:$0x12200] =	vst v63  }
0x4b: {  	_ =	swait.ge [sflag:s8], $0x80  }
0x4c: {  	[sflag:s8] =	ssyncset.done $0x0  }
0x4d: {  	[sflag:s8] =	ssyncadd.s32 $0xFFFFFF80  }
0x4e: {  	[tilespmem:s16], [sflag:$0x3] =	stream.linear.gather [hbm4b:s15+s3], $0x80, $0x38;
	[tilespmem:$0x12200] =	vst v63  }
0x4f: {  	_ =	swait.ge [sflag:s8], $0x80  }
0x50: {  	[sflag:s8] =	ssyncset.done $0x0  }
0x51: {  	[sflag:s8] =	ssyncadd.s32 $0xFFFFFF80  }
0x52: {  	[bflag:$0x0] =	sbarrier.arrive $0xFFFF  }
0x53: {  	_ =	swait.ge [sflag:s17], $0x10000  }
0x54: {  	[sflag:s17] =	ssyncset.done $0x0  }
0x55: {  	[sflag:s17] =	ssyncadd.s32 $0xFFFF0000  }
0x56: {  	[spmem:s2] =	stream.indirect.scatter.add.f32 [tilespmem:s7], [sflag:$0x2], $0x80, s3, s12, $0xb8;
	[tilespmem:$0x12200] =	vst v63  }
0x57: {  	_ = 	snop  }
0x58: {  	[spmem:s2] =	stream.indirect.scatter.add.f32 [tilespmem:s18], [sflag:$0x2], $0x80, s12, s12, $0xb8;
	[tilespmem:$0x12200] =	vst v63  }
0x59: {  	_ = 	snop  }
0x5a: {  	[spmem:s2] =	stream.indirect.scatter.add.f32 [tilespmem:s19], [sflag:$0x2], $0x80, s14, s12, $0xb8;
	[tilespmem:$0x12200] =	vst v63  }
0x5b: {  	_ = 	snop  }
0x5c: {  	[spmem:s2] =	stream.indirect.scatter.add.f32 [tilespmem:s20], [sflag:$0x2], $0x80, s16, s12, $0xb8;
	[tilespmem:$0x12200] =	vst v63  }
0x5d: {  	_ =	swait.ge [sflag:s21], $0x4000  }
0x5e: {  	[sflag:s21] =	ssyncset.done $0x0  }
0x5f: {  	[sflag:s21] =	ssyncadd.s32 $0xFFFFC000  }
0x60: {  	_ =	swait.ge [sflag:s21], $0x4000  }
0x61: {  	[sflag:s21] =	ssyncset.done $0x0  }
0x62: {  	[sflag:s21] =	ssyncadd.s32 $0xFFFFC000  }
0x63: {  	_ =	swait.ge [sflag:s21], $0x4000  }
0x64: {  	[sflag:s21] =	ssyncset.done $0x0  }
0x65: {  	[sflag:s21] =	ssyncadd.s32 $0xFFFFC000  }
0x66: {  	_ =	swait.ge [sflag:s21], $0x4000  }
0x67: {  	[sflag:s21] =	ssyncset.done $0x0  }
.Ltmp1:
0x68: {  	[sflag:s21] =	ssyncadd.s32 $0xFFFFC000;
	(pc) =	sbr.rel @p0 .LBB2_1-.Ltmp1, $4  }
0x69: {  	[bflag:$0x0] =	sbarrier.arrive $0xFFFF  }
0x6a: {  	[hbm:s22], [sflag:s6] =	dma.local [spmem:s9], $0x400  }
0x6b: {  	_ =	swait.ge [sflag:s8], $0x400  }
0x6c: {  	[sflag:s8] =	ssyncset.done $0x0  }
.LBB2_2:
0x6d: {  	[sflag:s8] =	ssyncadd.s32 $0xFFFFFC00  }
0x6e: {  	_ =	sfence.sel $0x180000  }
0x6f: {  	[bflag:$0x0] =	sbarrier.arrive $0xFFFF  }
0x70: {  	p0 =	sne.s32 s1, $0x0;
	_ =	strace $0x90000047  }
0x71: {  	s0 =	sadd.s32 @!p0 $0x100000, s0;
	[bflag:$0x2] =	sbarrier.arrive $0xFFFF  }
0x72: {  	[sflag:s0] =	ssyncadd.tile.s32 @!p0 $0x1;
	_ =	shalt  }
.Lfunc_end2:
_tile_overlayer_lowered:
.L_overlay_start_2:
0x73: {  	(tag) =	ssettag $0x2  }
0x74: {  	s0 =	rddreg [dreg:$0x0];
	s2 =	stileid.u32  }
0x75: {  	s1 =	rddreg [dreg:$0x1];
	p0 =	sne.s32 s2, $0x0  }
0x76: {  	s3 =	rddreg [dreg:$0x2];
	[bflag:$0x3] =	sbarrier.arrive $0xFFFF;
	s2 =	simm.s32 @!p0 $0x1C03  }
0x77: {  	[timem:s3], [sflag:s2] =	dma.local @!p0 [hbm:s0], s1  }
0x78: {  	s0 =	simm.s32 @!p0 $0x3  }
0x79: {  	_ =	swait.ge @!p0 [sflag:s0], s1  }
0x7a: {  	s1 =	ssub.s32 @!p0 $0x0, s1;
	[sflag:s0] =	ssyncset.done @!p0 $0x0  }
0x7b: {  	[sflag:s0] =	ssyncadd.s32 @!p0 s1  }
0x7c: {  	[bflag:$0x3] =	sbarrier.arrive $0xFFFF  }
0x7d: {  	_ =	shalt  }

</sc_bundles>
